<compile_context>
chip_gen: v7x
topology: tpu7x:2x2x1
jax: 0.10.2.dev20260603
libtpu: 0.0.44.dev20260713+nightly
codegen_flags: <defaults>
</compile_context>

<pallas_src>
import functools

import jax
import jax.numpy as jnp
from jax import lax
from jax.experimental import pallas as pl
from jax.experimental.pallas import tpu as pltpu
from jax.experimental.pallas import tpu_sc as plsc

N_CLUSTERS = 100
EMBED_DIM = 64
BATCH = 16384

_NC = 2
_NS = 16
_NW = _NC * _NS
_B_PER_W = BATCH // _NW
_L = 16
_BLK = 128
_NBLK = _B_PER_W // _BLK


def _sc_embedding_gather(ids, table_flat_T):
    mesh = plsc.VectorSubcoreMesh(core_axis_name="c", subcore_axis_name="s")

    @functools.partial(
        pl.kernel,
        mesh=mesh,
        out_type=jax.ShapeDtypeStruct((EMBED_DIM, BATCH), jnp.float32),
        scratch_types=[
            pltpu.VMEM((_B_PER_W,), jnp.int32),
            pltpu.VMEM((N_CLUSTERS * EMBED_DIM,), jnp.float32),
            pltpu.VMEM((EMBED_DIM, _B_PER_W), jnp.float32),
            pltpu.SemaphoreType.DMA,
        ],
        compiler_params=pltpu.CompilerParams(
            needs_layout_passes=False,
            skip_device_barrier=True,
            disable_bounds_checks=True,
            disable_semaphore_checks=True,
        ),
    )
    def k(ids_hbm, table_hbm, out_hbm, idx_v, tab_v, outT_v, sem_w):
        wid = lax.axis_index("s") * _NC + lax.axis_index("c")
        base = wid * _B_PER_W
        tab_cp = pltpu.async_copy(table_hbm, tab_v, sem_w)
        ids_cp = pltpu.async_copy(ids_hbm.at[pl.ds(base, _B_PER_W)], idx_v, sem_w)
        tab_cp.wait()
        ids_cp.wait()

        @plsc.parallel_loop(0, (_B_PER_W // _L) * (EMBED_DIM // 8), unroll=2)
        def _body(u):
            bg = u >> 3
            dg = u & 7
            col = bg * _L
            bvec = idx_v[pl.ds(col, _L)]
            dvec = bvec + dg * (8 * N_CLUSTERS)
            for kk in range(8):
                ivec = dvec + kk * N_CLUSTERS
                outT_v[dg * 8 + kk, pl.ds(col, _L)] = plsc.load_gather(
                    tab_v, [ivec]
                )

        pltpu.async_copy(
            outT_v,
            out_hbm.at[:, pl.ds(base, _B_PER_W)],
            sem_w,
        ).wait()

    return k(ids, table_flat_T)


def kernel(cluster_ids, embedding_weight):
    ids = cluster_ids.astype(jnp.int32)
    table_flat_T = embedding_weight.T.reshape(-1)
    outT = _sc_embedding_gather(ids, table_flat_T)
    return outT.T

# --- scband reference (transcript-rebuilt; emitter-appended) ---
"""Pipeline reference for scband-cluster-embedding-5634997092414 (READ-ONLY COPY).

The authoritative reference and input builder live on the scoring server;
editing this copy changes nothing except your own understanding.
"""

import jax, jax.numpy as jnp
import numpy as np

N_CLUSTERS = 100
EMBED_DIM = 64
BATCH = 16384

def setup_inputs(seed: int = 0) -> dict:
    key = jax.random.key(seed)
    k_ids, k_w = jax.random.split(key)
    cluster_ids = jax.random.randint(k_ids, (BATCH,), 0, N_CLUSTERS, dtype=jnp.int64 if jax.config.jax_enable_x64 else jnp.int32)
    embedding_weight = jax.random.normal(k_w, (N_CLUSTERS, EMBED_DIM), dtype=jnp.float32)
    return {"cluster_ids": cluster_ids, "embedding_weight": embedding_weight}

def reference(cluster_ids, embedding_weight):
    # Hard lookup path of ClusterEmbedding.forward (cluster_probs is None):
    #   self.embedding(cluster_ids.long())
    return jnp.take(embedding_weight, cluster_ids, axis=0)

if __name__ == "__main__":
    import jax
    _d = setup_inputs()
    print(jax.jit(kernel)(*tuple(_d.values())))

</pallas_src>

<mosaic_0001>
#map = affine_map<(d0, d1) -> (0)>
#map1 = affine_map<(d0, d1) -> (0, 0)>
module attributes {stable_mosaic.version = 14 : i64} {
  func.func @k(%arg0: i32, %arg1: i32, %arg2: memref<16384xi32, #tpu.memory_space<hbm>>, %arg3: memref<6400xf32, #tpu.memory_space<hbm>>, %arg4: memref<64x16384xf32, #tpu.memory_space<hbm>>, %arg5: memref<512xi32, #tpu.memory_space<vmem>>, %arg6: memref<6400xf32, #tpu.memory_space<vmem>>, %arg7: memref<64x512xf32, #tpu.memory_space<vmem>>, %arg8: memref<!tpu.dma_semaphore, #tpu.memory_space<semaphore_mem>>) attributes {dimension_semantics = [#tpu.dimension_semantics<core_parallel>, #tpu.dimension_semantics<subcore_parallel>], iteration_bounds = array<i64: 2, 16>, scalar_prefetch = 0 : i64, scratch_operands = 4 : i64, tpu.core_type = #tpu.core_type<sc_vector_subcore>, window_params = [{transform_indices = #map}, {transform_indices = #map}, {transform_indices = #map1}]} {
    %mul3A = arith.constant 2 : i32
    %mul3A_0 = arith.muli %arg1, %mul3A : i32
    %add3A = arith.addi %mul3A_0, %arg0 : i32
    %mul3A_1 = arith.constant 512 : i32
    %mul3A_2 = arith.muli %add3A, %mul3A_1 : i32
    tpu.enqueue_dma source(%arg3 : memref<6400xf32, #tpu.memory_space<hbm>>) target(%arg6 : memref<6400xf32, #tpu.memory_space<vmem>>) target_semaphore(%arg8 : memref<!tpu.dma_semaphore, #tpu.memory_space<semaphore_mem>>)
    %dma_start3A = tpu.memref_slice %arg2[%mul3A_2] : memref<16384xi32, #tpu.memory_space<hbm>> -> memref<512xi32, #tpu.memory_space<hbm>>
    %dma_start3A_3 = tpu.memref_slice %arg2[%mul3A_2] : memref<16384xi32, #tpu.memory_space<hbm>> -> memref<512xi32, #tpu.memory_space<hbm>>
    tpu.enqueue_dma source(%dma_start3A_3 : memref<512xi32, #tpu.memory_space<hbm>>) target(%arg5 : memref<512xi32, #tpu.memory_space<vmem>>) target_semaphore(%arg8 : memref<!tpu.dma_semaphore, #tpu.memory_space<semaphore_mem>>)
    tpu.wait_dma2 semaphore(%arg8 : memref<!tpu.dma_semaphore, #tpu.memory_space<semaphore_mem>>) src(%arg3 : memref<6400xf32, #tpu.memory_space<hbm>>) dst(%arg6 : memref<6400xf32, #tpu.memory_space<vmem>>)
    %dma_wait3A = tpu.memref_slice %arg2[%mul3A_2] : memref<16384xi32, #tpu.memory_space<hbm>> -> memref<512xi32, #tpu.memory_space<hbm>>
    %dma_wait3A_4 = tpu.memref_slice %arg2[%mul3A_2] : memref<16384xi32, #tpu.memory_space<hbm>> -> memref<512xi32, #tpu.memory_space<hbm>>
    tpu.wait_dma2 semaphore(%arg8 : memref<!tpu.dma_semaphore, #tpu.memory_space<semaphore_mem>>) src(%dma_wait3A_4 : memref<512xi32, #tpu.memory_space<hbm>>) dst(%arg5 : memref<512xi32, #tpu.memory_space<vmem>>)
    %parallel_loop3A = arith.constant 0 : i32
    %parallel_loop3A_5 = arith.constant 256 : i32
    %parallel_loop3A_6 = arith.constant 1 : i32
    scf.for %parallel_loop3A_15 = %parallel_loop3A to %parallel_loop3A_5 step %parallel_loop3A_6  : i32 {
      %parallel_loop3A_16 = arith.constant 3 : i32
      %parallel_loop3A_17 = arith.shrsi %parallel_loop3A_15, %parallel_loop3A_16 : i32
      %parallel_loop3A_18 = arith.constant 7 : i32
      %parallel_loop3A_19 = arith.andi %parallel_loop3A_15, %parallel_loop3A_18 : i32
      %parallel_loop3A_20 = arith.constant 16 : i32
      %parallel_loop3A_21 = arith.muli %parallel_loop3A_17, %parallel_loop3A_20 : i32
      %parallel_loop3A_22 = arith.index_cast %parallel_loop3A_21 : i32 to index
      %parallel_loop3A_23 = tpu.vector_load %arg5[%parallel_loop3A_22] {strides = array<i32>} : memref<512xi32, #tpu.memory_space<vmem>>, vector<16xi32>,
      %parallel_loop3A_24 = arith.constant 800 : i32
      %parallel_loop3A_25 = arith.muli %parallel_loop3A_19, %parallel_loop3A_24 : i32
      %parallel_loop3A_26 = vector.broadcast %parallel_loop3A_25 : i32 to vector<16xi32>
      %parallel_loop3A_27 = arith.addi %parallel_loop3A_23, %parallel_loop3A_26 : vector<16xi32>
      %parallel_loop3A_28 = arith.constant 0 : i32
      %parallel_loop3A_29 = vector.broadcast %parallel_loop3A_28 : i32 to vector<16xi32>
      %parallel_loop3A_30 = arith.addi %parallel_loop3A_27, %parallel_loop3A_29 : vector<16xi32>
      %parallel_loop3A_31 = tpu.vector_load_idx %arg6[%parallel_loop3A_30] : memref<6400xf32, #tpu.memory_space<vmem>>[vector<16xi32>], vector<16xf32>,
      %parallel_loop3A_32 = arith.constant 8 : i32
      %parallel_loop3A_33 = arith.muli %parallel_loop3A_19, %parallel_loop3A_32 : i32
      %parallel_loop3A_34 = arith.constant 0 : i32
      %parallel_loop3A_35 = arith.addi %parallel_loop3A_33, %parallel_loop3A_34 : i32
      %parallel_loop3A_36 = arith.index_cast %parallel_loop3A_35 : i32 to index
      %parallel_loop3A_37 = arith.index_cast %parallel_loop3A_21 : i32 to index
      %parallel_loop3A_38 = tpu.vector_load %arg7[%parallel_loop3A_36, %parallel_loop3A_37] {strides = array<i32>} : memref<64x512xf32, #tpu.memory_space<vmem>>, vector<16xf32>,
      tpu.vector_store %arg7[%parallel_loop3A_36, %parallel_loop3A_37], %parallel_loop3A_31 {strides = array<i32>} : memref<64x512xf32, #tpu.memory_space<vmem>>, vector<16xf32>,
      %parallel_loop3A_39 = arith.constant 100 : i32
      %parallel_loop3A_40 = vector.broadcast %parallel_loop3A_39 : i32 to vector<16xi32>
      %parallel_loop3A_41 = arith.addi %parallel_loop3A_27, %parallel_loop3A_40 : vector<16xi32>
      %parallel_loop3A_42 = tpu.vector_load_idx %arg6[%parallel_loop3A_41] : memref<6400xf32, #tpu.memory_space<vmem>>[vector<16xi32>], vector<16xf32>,
      %parallel_loop3A_43 = arith.constant 8 : i32
      %parallel_loop3A_44 = arith.muli %parallel_loop3A_19, %parallel_loop3A_43 : i32
      %parallel_loop3A_45 = arith.constant 1 : i32
      %parallel_loop3A_46 = arith.addi %parallel_loop3A_44, %parallel_loop3A_45 : i32
      %parallel_loop3A_47 = arith.index_cast %parallel_loop3A_46 : i32 to index
      %parallel_loop3A_48 = arith.index_cast %parallel_loop3A_21 : i32 to index
      %parallel_loop3A_49 = tpu.vector_load %arg7[%parallel_loop3A_47, %parallel_loop3A_48] {strides = array<i32>} : memref<64x512xf32, #tpu.memory_space<vmem>>, vector<16xf32>,
      tpu.vector_store %arg7[%parallel_loop3A_47, %parallel_loop3A_48], %parallel_loop3A_42 {strides = array<i32>} : memref<64x512xf32, #tpu.memory_space<vmem>>, vector<16xf32>,
      %parallel_loop3A_50 = arith.constant 200 : i32
      %parallel_loop3A_51 = vector.broadcast %parallel_loop3A_50 : i32 to vector<16xi32>
      %parallel_loop3A_52 = arith.addi %parallel_loop3A_27, %parallel_loop3A_51 : vector<16xi32>
      %parallel_loop3A_53 = tpu.vector_load_idx %arg6[%parallel_loop3A_52] : memref<6400xf32, #tpu.memory_space<vmem>>[vector<16xi32>], vector<16xf32>,
      %parallel_loop3A_54 = arith.constant 8 : i32
      %parallel_loop3A_55 = arith.muli %parallel_loop3A_19, %parallel_loop3A_54 : i32
      %parallel_loop3A_56 = arith.constant 2 : i32
      %parallel_loop3A_57 = arith.addi %parallel_loop3A_55, %parallel_loop3A_56 : i32
      %parallel_loop3A_58 = arith.index_cast %parallel_loop3A_57 : i32 to index
      %parallel_loop3A_59 = arith.index_cast %parallel_loop3A_21 : i32 to index
      %parallel_loop3A_60 = tpu.vector_load %arg7[%parallel_loop3A_58, %parallel_loop3A_59] {strides = array<i32>} : memref<64x512xf32, #tpu.memory_space<vmem>>, vector<16xf32>,
      tpu.vector_store %arg7[%parallel_loop3A_58, %parallel_loop3A_59], %parallel_loop3A_53 {strides = array<i32>} : memref<64x512xf32, #tpu.memory_space<vmem>>, vector<16xf32>,
      %parallel_loop3A_61 = arith.constant 300 : i32
      %parallel_loop3A_62 = vector.broadcast %parallel_loop3A_61 : i32 to vector<16xi32>
      %parallel_loop3A_63 = arith.addi %parallel_loop3A_27, %parallel_loop3A_62 : vector<16xi32>
      %parallel_loop3A_64 = tpu.vector_load_idx %arg6[%parallel_loop3A_63] : memref<6400xf32, #tpu.memory_space<vmem>>[vector<16xi32>], vector<16xf32>,
      %parallel_loop3A_65 = arith.constant 8 : i32
      %parallel_loop3A_66 = arith.muli %parallel_loop3A_19, %parallel_loop3A_65 : i32
      %parallel_loop3A_67 = arith.constant 3 : i32
      %parallel_loop3A_68 = arith.addi %parallel_loop3A_66, %parallel_loop3A_67 : i32
      %parallel_loop3A_69 = arith.index_cast %parallel_loop3A_68 : i32 to index
      %parallel_loop3A_70 = arith.index_cast %parallel_loop3A_21 : i32 to index
      %parallel_loop3A_71 = tpu.vector_load %arg7[%parallel_loop3A_69, %parallel_loop3A_70] {strides = array<i32>} : memref<64x512xf32, #tpu.memory_space<vmem>>, vector<16xf32>,
      tpu.vector_store %arg7[%parallel_loop3A_69, %parallel_loop3A_70], %parallel_loop3A_64 {strides = array<i32>} : memref<64x512xf32, #tpu.memory_space<vmem>>, vector<16xf32>,
      %parallel_loop3A_72 = arith.constant 400 : i32
      %parallel_loop3A_73 = vector.broadcast %parallel_loop3A_72 : i32 to vector<16xi32>
      %parallel_loop3A_74 = arith.addi %parallel_loop3A_27, %parallel_loop3A_73 : vector<16xi32>
      %parallel_loop3A_75 = tpu.vector_load_idx %arg6[%parallel_loop3A_74] : memref<6400xf32, #tpu.memory_space<vmem>>[vector<16xi32>], vector<16xf32>,
      %parallel_loop3A_76 = arith.constant 8 : i32
      %parallel_loop3A_77 = arith.muli %parallel_loop3A_19, %parallel_loop3A_76 : i32
      %parallel_loop3A_78 = arith.constant 4 : i32
      %parallel_loop3A_79 = arith.addi %parallel_loop3A_77, %parallel_loop3A_78 : i32
      %parallel_loop3A_80 = arith.index_cast %parallel_loop3A_79 : i32 to index
      %parallel_loop3A_81 = arith.index_cast %parallel_loop3A_21 : i32 to index
      %parallel_loop3A_82 = tpu.vector_load %arg7[%parallel_loop3A_80, %parallel_loop3A_81] {strides = array<i32>} : memref<64x512xf32, #tpu.memory_space<vmem>>, vector<16xf32>,
      tpu.vector_store %arg7[%parallel_loop3A_80, %parallel_loop3A_81], %parallel_loop3A_75 {strides = array<i32>} : memref<64x512xf32, #tpu.memory_space<vmem>>, vector<16xf32>,
      %parallel_loop3A_83 = arith.constant 500 : i32
      %parallel_loop3A_84 = vector.broadcast %parallel_loop3A_83 : i32 to vector<16xi32>
      %parallel_loop3A_85 = arith.addi %parallel_loop3A_27, %parallel_loop3A_84 : vector<16xi32>
      %parallel_loop3A_86 = tpu.vector_load_idx %arg6[%parallel_loop3A_85] : memref<6400xf32, #tpu.memory_space<vmem>>[vector<16xi32>], vector<16xf32>,
      %parallel_loop3A_87 = arith.constant 8 : i32
      %parallel_loop3A_88 = arith.muli %parallel_loop3A_19, %parallel_loop3A_87 : i32
      %parallel_loop3A_89 = arith.constant 5 : i32
      %parallel_loop3A_90 = arith.addi %parallel_loop3A_88, %parallel_loop3A_89 : i32
      %parallel_loop3A_91 = arith.index_cast %parallel_loop3A_90 : i32 to index
      %parallel_loop3A_92 = arith.index_cast %parallel_loop3A_21 : i32 to index
      %parallel_loop3A_93 = tpu.vector_load %arg7[%parallel_loop3A_91, %parallel_loop3A_92] {strides = array<i32>} : memref<64x512xf32, #tpu.memory_space<vmem>>, vector<16xf32>,
      tpu.vector_store %arg7[%parallel_loop3A_91, %parallel_loop3A_92], %parallel_loop3A_86 {strides = array<i32>} : memref<64x512xf32, #tpu.memory_space<vmem>>, vector<16xf32>,
      %parallel_loop3A_94 = arith.constant 600 : i32
      %parallel_loop3A_95 = vector.broadcast %parallel_loop3A_94 : i32 to vector<16xi32>
      %parallel_loop3A_96 = arith.addi %parallel_loop3A_27, %parallel_loop3A_95 : vector<16xi32>
      %parallel_loop3A_97 = tpu.vector_load_idx %arg6[%parallel_loop3A_96] : memref<6400xf32, #tpu.memory_space<vmem>>[vector<16xi32>], vector<16xf32>,
      %parallel_loop3A_98 = arith.constant 8 : i32
      %parallel_loop3A_99 = arith.muli %parallel_loop3A_19, %parallel_loop3A_98 : i32
      %parallel_loop3A_100 = arith.constant 6 : i32
      %parallel_loop3A_101 = arith.addi %parallel_loop3A_99, %parallel_loop3A_100 : i32
      %parallel_loop3A_102 = arith.index_cast %parallel_loop3A_101 : i32 to index
      %parallel_loop3A_103 = arith.index_cast %parallel_loop3A_21 : i32 to index
      %parallel_loop3A_104 = tpu.vector_load %arg7[%parallel_loop3A_102, %parallel_loop3A_103] {strides = array<i32>} : memref<64x512xf32, #tpu.memory_space<vmem>>, vector<16xf32>,
      tpu.vector_store %arg7[%parallel_loop3A_102, %parallel_loop3A_103], %parallel_loop3A_97 {strides = array<i32>} : memref<64x512xf32, #tpu.memory_space<vmem>>, vector<16xf32>,
      %parallel_loop3A_105 = arith.constant 700 : i32
      %parallel_loop3A_106 = vector.broadcast %parallel_loop3A_105 : i32 to vector<16xi32>
      %parallel_loop3A_107 = arith.addi %parallel_loop3A_27, %parallel_loop3A_106 : vector<16xi32>
      %parallel_loop3A_108 = tpu.vector_load_idx %arg6[%parallel_loop3A_107] : memref<6400xf32, #tpu.memory_space<vmem>>[vector<16xi32>], vector<16xf32>,
      %parallel_loop3A_109 = arith.constant 8 : i32
      %parallel_loop3A_110 = arith.muli %parallel_loop3A_19, %parallel_loop3A_109 : i32
      %parallel_loop3A_111 = arith.constant 7 : i32
      %parallel_loop3A_112 = arith.addi %parallel_loop3A_110, %parallel_loop3A_111 : i32
      %parallel_loop3A_113 = arith.index_cast %parallel_loop3A_112 : i32 to index
      %parallel_loop3A_114 = arith.index_cast %parallel_loop3A_21 : i32 to index
      %parallel_loop3A_115 = tpu.vector_load %arg7[%parallel_loop3A_113, %parallel_loop3A_114] {strides = array<i32>} : memref<64x512xf32, #tpu.memory_space<vmem>>, vector<16xf32>,
      tpu.vector_store %arg7[%parallel_loop3A_113, %parallel_loop3A_114], %parallel_loop3A_108 {strides = array<i32>} : memref<64x512xf32, #tpu.memory_space<vmem>>, vector<16xf32>,
    } {sc.loop_unroll_factor = 2 : i64, sc.parallel_access}
    %dma_start3A_7 = arith.constant 0 : i32
    %dma_start3A_8 = tpu.memref_slice %arg4[%dma_start3A_7, %mul3A_2] : memref<64x16384xf32, #tpu.memory_space<hbm>> -> memref<64x512xf32, #tpu.memory_space<hbm>>
    %dma_start3A_9 = arith.constant 0 : i32
    %dma_start3A_10 = tpu.memref_slice %arg4[%dma_start3A_9, %mul3A_2] : memref<64x16384xf32, #tpu.memory_space<hbm>> -> memref<64x512xf32, #tpu.memory_space<hbm>>
    tpu.enqueue_dma source(%arg7 : memref<64x512xf32, #tpu.memory_space<vmem>>) target(%dma_start3A_10 : memref<64x512xf32, #tpu.memory_space<hbm>>) target_semaphore(%arg8 : memref<!tpu.dma_semaphore, #tpu.memory_space<semaphore_mem>>)
    %dma_wait3A_11 = arith.constant 0 : i32
    %dma_wait3A_12 = tpu.memref_slice %arg4[%dma_wait3A_11, %mul3A_2] : memref<64x16384xf32, #tpu.memory_space<hbm>> -> memref<64x512xf32, #tpu.memory_space<hbm>>
    %dma_wait3A_13 = arith.constant 0 : i32
    %dma_wait3A_14 = tpu.memref_slice %arg4[%dma_wait3A_13, %mul3A_2] : memref<64x16384xf32, #tpu.memory_space<hbm>> -> memref<64x512xf32, #tpu.memory_space<hbm>>
    tpu.wait_dma2 semaphore(%arg8 : memref<!tpu.dma_semaphore, #tpu.memory_space<semaphore_mem>>) src(%arg7 : memref<64x512xf32, #tpu.memory_space<vmem>>) dst(%dma_wait3A_14 : memref<64x512xf32, #tpu.memory_space<hbm>>)
    return
  }
}

</mosaic_0001>

<sc_bundles>
// kernel: kernel.3.cloned.1.call-start
scs
__scs_entry_jumppad:
0x0: {  	(pc) =	sbr.rel $0x88, $3  }
0x1: {  	(tag) =	ssettag $0x0;
	lr =	simm.s32 $0x1  }
0x2: {  	[smem:$0x3F9F] =	sst lr;
	_ =	strace $0xD0000000  }
0x3: {  	_ = 	snop  }
0x4: {  	_ = 	snop  }
0x5: {  	_ = 	snop  }
0x6: {  	_ = 	snop  }
0x7: {  	_ = 	snop  }
__scs_overlays_trampoline_lowered:
0x8: {  	[smem:$0x3FAE] =	sst s0  }
0x9: {  	[smem:$0x3FAF] =	sst s1  }
0xa: {  	[smem:$0x3FB0] =	sst s2  }
0xb: {  	[smem:$0x3FB1] =	sst s3  }
0xc: {  	[smem:$0x3FB2] =	sst s4  }
0xd: {  	[smem:$0x3FB3] =	sst s5  }
0xe: {  	[smem:$0x3FB4] =	sst s6  }
0xf: {  	[smem:$0x3FB5] =	sst s7  }
0x10: {  	[smem:$0x3FB6] =	sst s8  }
0x11: {  	[smem:$0x3FB7] =	sst s9;
	s0 =	simm.s32 @!p0 $0x0  }
0x12: {  	s1 =	sld [smem:$0x3F9D];
	s0 =	simm.s32 @p0 $0x1  }
0x13: {  	[smem:$0x3FB8] =	sst s0;
	s0 =	simm.s32 @!p1 $0x0  }
0x14: {  	s2 =	sld [smem:$0x3F9C];
	s0 =	simm.s32 @p1 $0x1  }
0x15: {  	[smem:$0x3FB9] =	sst s0;
	s0 =	simm.s32 @!p2 $0x0  }
0x16: {  	s3 =	sld [smem:$0x3FDB];
	s0 =	simm.s32 @p2 $0x1  }
0x17: {  	s4 =	simm.s32 $0x1BF5;
	[smem:$0x3FBB] =	sst s0  }
0x18: {  	s0 =	sld [smem:$0x3F9E];
	_ =	swait.ge [sflag:s4], $0x0  }
0x19: {  	s7 =	sld [smem:$0x3F9F]  }
0x1a: {  	s8 =	sadd.s32 $0xFFFFE003, lr  }
0x1b: {  	s9 =	sadd.s32 $0xFFFFFEF7, lr;
	s5 =	simm.s32 $0xFFFFFFFF;
	p2 =	slt.u32 s8, $0xFFFFF086  }
0x1c: {  	p1 =	slt.u32 s9, $0xF7A;
	s5 =	simm.s32 @!p2 $0x0  }
0x1d: {  	s5 =	simm.s32 @p1 $0x1;
	p0 =	seq.s32 s7, s2  }
0x1e: {  	s7 =	smul.u32 @!p0 $0xF7A, s2;
	p2 =	seq.s32 @!p0 s5, $0x0  }
0x1f: {  	s9 =	smul.u32 $0xF7A, s1;
	s8 =	simm.s32 @!p0 $0x1BF5;
	p2 =	por !p2, p0  }
0x20: {  	[sflag:s8] =	ssyncset.s32 @!p0 $0xFFFFF086;
	s6 =	sadd.s32 @!p0 s3, s7;
	s7 =	simm.s32 @!p0 $0x108  }
0x21: {  	s3 =	sadd.s32 s3, s9;
	s6 =	sadd.s32 @!p0 $0x88, s6;
	s7 =	simm.s32 @p2 $0x1082  }
0x22: {  	[simem:s7], [sflag:s8] =	dma.local @!p0 [hbm:s6], $0xF7A  }
0x23: {  	s9 =	sor.u32 $0xD0000000, s2;
	s6 =	simm.s32 $0x108;
	_ =	swait.ge @!p0 [sflag:s8], $0x0  }
0x24: {  	s3 =	sadd.s32 $0x88, s3;
	s6 =	simm.s32 @!p1 $0x1082;
	[sflag:s4] =	ssyncset.s32 $0xFFFFF086  }
0x25: {  	[simem:s6], [sflag:s4] =	dma.local [hbm:s3], $0xF7A  }
0x26: {  	[smem:$0x3F9F] =	sst s1;
	(tag) =	ssettag s2;
	_ =	strace s9  }
0x27: {  	s1 =	sld [smem:$0x3FAF]  }
0x28: {  	s2 =	sld [smem:$0x3FB0]  }
0x29: {  	s4 =	sld [smem:$0x3FB2]  }
0x2a: {  	p0 =	seq.s32 s5, $0x0;
	s5 =	sld [smem:$0x3FB3]  }
0x2b: {  	s6 =	sld [smem:$0x3FB4]  }
0x2c: {  	s7 =	sld [smem:$0x3FB5]  }
0x2d: {  	s3 =	simm.s32 $0x108;
	s8 =	sld [smem:$0x3FB6]  }
0x2e: {  	s3 =	simm.s32 @!p0 $0x1082;
	s9 =	sld [smem:$0x3FB7]  }
0x2f: {  	lr =	sadd.s32 s0, s3;
	s0 =	sld [smem:$0x3FAE]  }
0x30: {  	s3 =	sld [smem:$0x3FB1]  }
0x31: {  	[smem:$0x3FBA] =	sst s10  }
0x32: {  	s10 =	sld [smem:$0x3FB8];
	_ =	sdelay $0x3  }
0x33: {  	p0 =	seq.s32 s10, $0x1;
	s10 =	sld [smem:$0x3FBA];
	_ =	sdelay $0x3  }
0x34: {  	[smem:$0x3FBA] =	sst s10  }
0x35: {  	s10 =	sld [smem:$0x3FB9];
	_ =	sdelay $0x3  }
0x36: {  	p1 =	seq.s32 s10, $0x1;
	s10 =	sld [smem:$0x3FBA];
	_ =	sdelay $0x3  }
0x37: {  	[smem:$0x3FBA] =	sst s10  }
0x38: {  	s10 =	sld [smem:$0x3FBB]  }
0x39: {  	_ = 	snop;
	(pc) =	sbr.ind lr, $3  }
0x3a: {  	_ = 	snop  }
0x3b: {  	_ = 	snop  }
0x3c: {  	p2 =	seq.s32 s10, $0x1;
	s10 =	sld [smem:$0x3FBA]  }
0x3d: {  	_ =	shalt  }
0x3e: {  	_ =	shalt  }
0x3f: {  	_ =	shalt  }
0x40: {  	_ =	shalt  }
0x41: {  	_ =	shalt  }
0x42: {  	_ =	shalt  }
0x43: {  	_ =	shalt  }
0x44: {  	_ =	shalt  }
0x45: {  	_ =	shalt  }
0x46: {  	_ =	shalt  }
0x47: {  	_ =	shalt  }
0x48: {  	_ =	shalt  }
0x49: {  	_ =	shalt  }
0x4a: {  	_ =	shalt  }
0x4b: {  	_ =	shalt  }
0x4c: {  	_ =	shalt  }
0x4d: {  	_ =	shalt  }
0x4e: {  	_ =	shalt  }
0x4f: {  	_ =	shalt  }
0x50: {  	_ =	shalt  }
0x51: {  	_ =	shalt  }
0x52: {  	_ =	shalt  }
0x53: {  	_ =	shalt  }
0x54: {  	_ =	shalt  }
0x55: {  	_ =	shalt  }
0x56: {  	_ =	shalt  }
0x57: {  	_ =	shalt  }
0x58: {  	_ =	shalt  }
0x59: {  	_ =	shalt  }
0x5a: {  	_ =	shalt  }
0x5b: {  	_ =	shalt  }
0x5c: {  	_ =	shalt  }
0x5d: {  	_ =	shalt  }
0x5e: {  	_ =	shalt  }
0x5f: {  	_ =	shalt  }
0x60: {  	_ =	shalt  }
0x61: {  	_ =	shalt  }
0x62: {  	_ =	shalt  }
0x63: {  	_ =	shalt  }
0x64: {  	_ =	shalt  }
0x65: {  	_ =	shalt  }
0x66: {  	_ =	shalt  }
0x67: {  	_ =	shalt  }
0x68: {  	_ =	shalt  }
0x69: {  	_ =	shalt  }
0x6a: {  	_ =	shalt  }
0x6b: {  	_ =	shalt  }
0x6c: {  	_ =	shalt  }
0x6d: {  	_ =	shalt  }
0x6e: {  	_ =	shalt  }
0x6f: {  	_ =	shalt  }
0x70: {  	_ =	shalt  }
0x71: {  	_ =	shalt  }
0x72: {  	_ =	shalt  }
0x73: {  	_ =	shalt  }
0x74: {  	_ =	shalt  }
0x75: {  	_ =	shalt  }
0x76: {  	_ =	shalt  }
0x77: {  	_ =	shalt  }
0x78: {  	_ =	shalt  }
0x79: {  	_ =	shalt  }
0x7a: {  	_ =	shalt  }
0x7b: {  	_ =	shalt  }
0x7c: {  	_ =	shalt  }
0x7d: {  	_ =	shalt  }
0x7e: {  	_ =	shalt  }
0x7f: {  	_ =	shalt  }
0x80: {  	_ =	shalt  }
0x81: {  	_ =	shalt  }
0x82: {  	_ =	shalt  }
0x83: {  	_ =	shalt  }
0x84: {  	_ =	shalt  }
0x85: {  	_ =	shalt  }
0x86: {  	_ =	shalt  }
0x87: {  	_ =	shalt  }
.Lfunc_end0:
.L_simem_size_0:
called_computation_lowered:
.L_overlay_start_0:
0x88: {  	s2 =	sld [smem:$0x3FD9]  }
0x89: {  	s3 =	sld [smem:$0x3FFE];
	_ =	sdelay $0x1  }
0x8a: {  	s1 =	srdreg.scid  }
0x8b: {  	s0 =	sand.u32 $0x1, s1  }
0x8c: {  	s17 =	sshll.u32 s0, $0xA;
	s2 =	sadd.s32 s3, s2  }
0x8d: {  	s2 =	sadd.s32 s2, s17  }
0x8e: {  	[smem:$0x3FC6] =	sst s2  }
0x8f: {  	_ = 	snop  }
0x90: {  	s2 =	sld [smem:$0x3FC9]  }
0x91: {  	s18 =	sld [smem:$0x3FD0];
	(tm) =	ssettm $0x1  }
0x92: {  	s4 =	sld [smem:$0x3FFB];
	_ =	sdelay $0x3  }
0x93: {  	_ =	strace s4  }
0x94: {  	s4 =	sld [smem:$0x3FFC];
	_ =	sdelay $0x3  }
0x95: {  	_ =	strace s4  }
0x96: {  	s4 =	sld [smem:$0x3FFD];
	_ =	sdelay $0x3  }
0x97: {  	_ =	strace s4  }
0x98: {  	_ =	strace $0x8FFFFFFF  }
0x99: {  	s19 =	sld [smem:$0x3FDB];
	_ =	sdelay $0x1  }
0x9a: {  	s5 =	simm.s32 $_scs_section_size  }
0x9b: {  	s6 =	simm.s32 $_size__tile_overlayer_lowered;
	s7 =	simm.s32 $_tile_overlayer_lowered  }
0x9c: {  	s22 =	simm.s32 $0x1BFF;
	s21 =	sshll.u32 s7, $0x1;
	s4 =	sadd.s32 s5, s19  }
0x9d: {  	s8 =	simm.s32 $0x0;
	s20 =	sshll.u32 s6, $0x1;
	s6 =	sadd.s32 s21, s4  }
0x9e: {  	[timem:s8], [sflag:s22] =	dma.local [hbm:s6], s20  }
0x9f: {  	_ =	swait.ge [sflag:s22], s20  }
0xa0: {  	s5 =	ssub.s32 $0x0, s20;
	[sflag:s22] =	ssyncset.done $0x0  }
0xa1: {  	[sflag:s22] =	ssyncadd.s32 s5;
	_ =	sdelay $0x1  }
0xa2: {  	s23 =	simm.s32 $0x1B8B  }
0xa3: {  	_ =	swait.ge [sflag:s23], $0x1  }
0xa4: {  	[sflag:s23] =	ssyncset.done $0x0  }
0xa5: {  	s25 =	simm.s32 $0x1B8E;
	s24 =	sld [smem:$0x3FFE];
	[sflag:s23] =	ssyncadd.s32 $0xFFFFFFFF  }
0xa6: {  	s26 =	simm.s32 $execute0_lowered;
	[smem:$0x3FD2] =	sst s25  }
0xa7: {  	s6 =	sshll.u32 s26, $0x1;
	_ =	strace $0x80000046;
	[dreg:$0x1] =	wrdreg $0xFFFFFFFF  }
0xa8: {  	s28 =	simm.s32 $_size_execute0_lowered;
	s4 =	sadd.s32 s4, s6;
	[dreg:$0x0] =	wrdreg $0x0  }
0xa9: {  	s6 =	sshll.u32 s28, $0x1;
	[dreg:$0x2] =	wrdreg s4  }
0xaa: {  	[dreg:$0x3] =	wrdreg s6  }
0xab: {  	[dreg:$0x4] =	wrdreg $0xC0  }
0xac: {  	_ =	task [dreg:s8], $0x5FFFF  }
0xad: {  	[dreg:$0x1] =	wrdreg $0xFFFFFFFF  }
0xae: {  	[dreg:$0x0] =	wrdreg $0x60  }
0xaf: {  	[dreg:$0x2] =	wrdreg s2  }
0xb0: {  	[dreg:$0x3] =	wrdreg s24  }
0xb1: {  	[dreg:$0x4] =	wrdreg s18  }
0xb2: {  	[dreg:$0x5] =	wrdreg $0x9  }
0xb3: {  	_ =	task.clear_ibuf [dreg:s8], $0x6FFFF;
	_ =	strace $0x90000046  }
0xb4: {  	s29 =	simm.s32 $0x9;
	_ =	strace $0x80000048  }
0xb5: {  	_ =	swait.ge [sflag:s29], $0x1  }
0xb6: {  	[sflag:s29] =	ssyncadd.s32 $0xFFFFFFFF  }
0xb7: {  	_ =	strace $0x90000048  }
0xb8: {  	_ =	sfence  }
0xb9: {  	s30 =	sld [smem:$0x0];
	_ =	sdelay $0x2  }
0xba: {  	s31 =	sshll.u32 s1, $0xD;
	s1 =	sshrl.u32 s1, $0x2  }
0xbb: {  	s3 =	sand.u32 $0x4000, s31;
	s1 =	sadd.s32 s1, s30  }
0xbc: {  	s0 =	sor.u32 s3, s0;
	s1 =	sshll.u32 s1, $0x11  }
0xbd: {  	s0 =	sor.u32 s1, s0  }
0xbe: {  	s0 =	sadd.s32 $0x8F2B, s0  }
0xbf: {  	[sflag:s0] =	ssyncadd.remote.s32 $0x1  }
0xc0: {  	_ =	sfence.sel $0xFFFF  }
0xc1: {  	[dreg:$0x0] =	wrdreg $0xFFFFFFFF;
	(pc) =	sbr.abs _section_cstart, $3  }
0xc2: {  	[dreg:$0x1] =	wrdreg $0xFFFFFFFF  }
0xc3: {  	_ =	task.clear_ibuf [dreg:s8], $0x2FFFF;
	_ =	strace $0x9FFFFFFF  }
0xc4: {  	(tm) =	ssettm $0x7FFFFFFF  }
0xc5: {  	_ =	shalt  }
tec
execute0_lowered:
.L_overlay_start_1:
0x0: {  	(tag) =	ssettag $0x1  }
0x1: {  	s4 =	rddreg [dreg:$0x0]  }
0x2: {  	s3 =	rddreg [dreg:$0x1]  }
0x3: {  	s5 =	rddreg [dreg:$0x2]  }
0x4: {  	s0 =	rddreg [dreg:$0x3];
	s2 =	simm.s32 $0x0;
	s6 =	srdreg.scid  }
0x5: {  	s1 =	stileid.u32;
	s10 =	simm.s32 $0x20000;
	s11 =	simm.s32 $0x1B00  }
0x6: {  	s12 =	simm.s32 $0x0;
	[smem:$0x7FF] =	sst s2;
	s6 =	sand.u32 $0x1, s6  }
0x7: {  	s8 =	sshll.u32 s1, $0xA;
	s7 =	ssub.s32 $0x2, s6;
	s6 =	sshll.u32 s6, $0x9  }
0x8: {  	s3 =	sadd.s32 $0x400, s3;
	s9 =	sshrl.u32 s7, $0x1;
	s6 =	sor.u32 s6, s8  }
0x9: {  	_ =	strace $0x80000047;
	s7 =	ssub.s32 s7, s9;
	s8 =	sshrl.u32 s6, $0x3  }
0xa: {  	s5 =	sadd.s32 s5, s6;
	s9 =	simm.s32 $0x1000;
	s4 =	sadd.s32 s4, s8  }
0xb: {  	s6 =	smax.u32 s7, $0x1;
	s7 =	simm.s32 $0x200;
	s8 =	simm.s32 $0x1  }
.LBB2_1:
0xc: {  	[tilespmem:s7], [sflag:$0x1] =	stream.linear.gather [hbm4b:s3+s2], $0x1900, $0x38;
	[tilespmem:$0x9B00] =	vst v63  }
0xd: {  	_ = 	snop  }
0xe: {  	[tilespmem:s2], [sflag:$0x1] =	stream.linear.gather [hbm4b:s4+s2], $0x200, $0x38;
	[tilespmem:$0x9B00] =	vst v63  }
0xf: {  	_ =	swait.ge [sflag:s8], $0x1900  }
0x10: {  	[sflag:s8] =	ssyncset.done $0x0  }
0x11: {  	[sflag:s8] =	ssyncadd.s32 $0xFFFFE700  }
0x12: {  	_ =	swait.ge [sflag:s8], $0x200  }
0x13: {  	[sflag:s8] =	ssyncset.done $0x0  }
0x14: {  	s13 =	sand.u32 $0x1F0, s2;
	[sflag:s8] =	ssyncadd.s32 $0xFFFFFE00  }
0x15: {  	s23 =	simm.s32 $0x0;
	v0 =	vld [tilespmem:s13+$0x0]  }
0x16: {  	s13 =	sand.u32 $0x6, s23  }
0x17: {  	s14 =	sor.u32 $0x1, s13  }
0x18: {  	s15 =	smul.u32 $0x320, s14;
	_ =	sdelay $0x1  }
0x19: {  	v2 =	vadd.s32 s15, v0;
	_ =	sdelay $0x1  }
0x1a: {  	s18 =	simm.s32 $0x4;
	s24 =	smul.u32 $0x320, s13  }
0x1b: {  	s20 =	sand.u32 $0x1F0, s18  }
0x1c: {  	s16 =	sand.u32 $0xC00, s2;
	s25 =	simm.s32 $0x2;
	v5 =	vld [tilespmem:s20+$0x0];
	s14 =	sshll.u32 s14, $0xC;
	v4 =	vadd.s32 s24, v0  }
0x1d: {  	s17 =	sand.u32 $0x70, s2;
	s26 =	sand.u32 $0x6, s25;
	s14 =	sor.u32 s16, s14;
	v1 =	vld.idx.msk [tilespmem:v2+s7+$0x0], $0xffff  }
0x1e: {  	s19 =	sor.u32 s17, s14;
	s14 =	sor.u32 $0x1, s26;
	v3 =	vadd.s32 $0x64, v2  }
0x1f: {  	s28 =	smul.u32 $0x320, s14;
	_ =	sdelay $0x1  }
0x20: {  	v0 =	vadd.s32 s28, v5;
	v6 =	vld.idx.msk [tilespmem:v4+s7+$0x0], $0xffff  }
0x21: {  	v7 =	vadd.s32 $0x64, v4;
	[tilespmem:s19+$0x1B00] =	vst v1  }
0x22: {  	s13 =	sshll.u32 s13, $0xC;
	v1 =	vld.idx.msk [tilespmem:v3+s7+$0x0], $0xffff  }
0x23: {  	s29 =	smul.u32 $0x320, s26;
	s13 =	sor.u32 s16, s13;
	v3 =	vadd.s32 $0xC8, v2  }
0x24: {  	s13 =	sor.u32 s17, s13  }
0x25: {  	v8 =	vadd.s32 s29, v5;
	v5 =	vld.idx.msk [tilespmem:v0+s7+$0x0], $0xffff;
	[tilespmem:s13+$0x1B00] =	vst v6  }
0x26: {  	s30 =	simm.s32 $0x20;
	v6 =	vld.idx.msk [tilespmem:v7+s7+$0x0], $0xffff;
	v7 =	vadd.s32 $0x64, v0  }
0x27: {  	s16 =	sand.u32 $0xC00, s30;
	s14 =	sshll.u32 s14, $0xC;
	v9 =	vadd.s32 $0xC8, v4;
	[tilespmem:s19+$0x1B80] =	vst v1  }
0x28: {  	s18 =	sand.u32 $0x70, s18;
	s14 =	sor.u32 s16, s14;
	v1 =	vld.idx.msk [tilespmem:v3+s7+$0x0], $0xffff  }
0x29: {  	s14 =	sor.u32 s18, s14;
	v3 =	vadd.s32 $0x12C, v2  }
0x2a: {  	[tilespmem:s14+$0x1B00] =	vst v5  }
0x2b: {  	[tilespmem:s13+$0x1B80] =	vst v6;
	v6 =	vld.idx.msk [tilespmem:v7+s7+$0x0], $0xffff  }
0x2c: {  	v7 =	vld.idx.msk [tilespmem:v9+s7+$0x0], $0xffff;
	v9 =	vadd.s32 $0xC8, v0  }
0x2d: {  	s31 =	simm.s32 $0x8;
	v12 =	vadd.s32 $0x12C, v4;
	v10 =	vld.idx.msk [tilespmem:v8+s7+$0x0], $0xffff;
	[tilespmem:s19+$0x1C00] =	vst v1  }
0x2e: {  	s21 =	sand.u32 $0x1F0, s31;
	v1 =	vld.idx.msk [tilespmem:v3+s7+$0x0], $0xffff  }
0x2f: {  	s22 =	simm.s32 $0x4;
	v5 =	vadd.s32 $0x190, v2;
	v3 =	vld [tilespmem:s21+$0x0]  }
0x30: {  	s20 =	sand.u32 $0x6, s22;
	v11 =	vadd.s32 $0x64, v8;
	[tilespmem:s14+$0x1B80] =	vst v6  }
0x31: {  	s22 =	sor.u32 $0x1, s20;
	s15 =	sshll.u32 s26, $0xC;
	[tilespmem:s13+$0x1C00] =	vst v7;
	v7 =	vld.idx.msk [tilespmem:v9+s7+$0x0], $0xffff  }
0x32: {  	s23 =	smul.u32 $0x320, s22;
	s15 =	sor.u32 s16, s15;
	v9 =	vld.idx.msk [tilespmem:v12+s7+$0x0], $0xffff  }
0x33: {  	v14 =	vadd.s32 $0x190, v4;
	s15 =	sor.u32 s18, s15;
	s21 =	smul.u32 $0x320, s20;
	[tilespmem:s19+$0x1C80] =	vst v1  }
0x34: {  	[tilespmem:s15+$0x1B00] =	vst v10;
	v1 =	vadd.s32 s23, v3;
	v5 =	vld.idx.msk [tilespmem:v5+s7+$0x0], $0xffff  }
0x35: {  	s28 =	simm.s32 $0xC;
	v6 =	vadd.s32 $0x1F4, v2;
	v13 =	vadd.s32 s21, v3;
	v3 =	vld.idx.msk [tilespmem:v11+s7+$0x0], $0xffff  }
0x36: {  	s29 =	sand.u32 $0x1F0, s28;
	v10 =	vadd.s32 $0xC8, v8  }
0x37: {  	[tilespmem:s13+$0x1C80] =	vst v9;
	v9 =	vld [tilespmem:s29+$0x0]  }
0x38: {  	v14 =	vld.idx.msk [tilespmem:v14+s7+$0x0], $0xffff  }
0x39: {  	v11 =	vadd.s32 $0x12C, v0;
	v15 =	vld.idx.msk [tilespmem:v1+s7+$0x0], $0xffff;
	[tilespmem:s19+$0x1D00] =	vst v5  }
0x3a: {  	s24 =	simm.s32 $0x40;
	v17 =	vadd.s32 $0x1F4, v4;
	[tilespmem:s15+$0x1B80] =	vst v3;
	v3 =	vld.idx.msk [tilespmem:v6+s7+$0x0], $0xffff  }
0x3b: {  	s26 =	sshll.u32 s22, $0xC;
	s25 =	sand.u32 $0xC00, s24;
	s18 =	simm.s32 $0x6;
	v5 =	vadd.s32 $0x64, v1;
	v6 =	vld.idx.msk [tilespmem:v10+s7+$0x0], $0xffff  }
0x3c: {  	s17 =	sand.u32 $0x70, s31;
	s16 =	sor.u32 s25, s26;
	s30 =	sand.u32 $0x6, s18;
	[tilespmem:s14+$0x1C00] =	vst v7;
	v7 =	vadd.s32 $0x258, v2;
	v12 =	vld.idx.msk [tilespmem:v13+s7+$0x0], $0xffff  }
0x3d: {  	s16 =	sor.u32 s17, s16;
	s23 =	sor.u32 $0x1, s30;
	[tilespmem:s13+$0x1D00] =	vst v14;
	v10 =	vadd.s32 $0x64, v13  }
0x3e: {  	v16 =	vadd.s32 $0x12C, v8;
	s20 =	sshll.u32 s20, $0xC;
	s24 =	smul.u32 $0x320, s23;
	v11 =	vld.idx.msk [tilespmem:v11+s7+$0x0], $0xffff;
	[tilespmem:s16+$0x1B00] =	vst v15  }
0x3f: {  	s20 =	sor.u32 s25, s20;
	v14 =	vld.idx.msk [tilespmem:v17+s7+$0x0], $0xffff;
	v15 =	vadd.s32 $0x190, v0;
	[tilespmem:s19+$0x1D80] =	vst v3  }
0x40: {  	s17 =	sor.u32 s17, s20;
	v5 =	vld.idx.msk [tilespmem:v5+s7+$0x0], $0xffff;
	[tilespmem:s15+$0x1C00] =	vst v6;
	v6 =	vadd.s32 $0x2BC, v2;
	v2 =	vadd.s32 s24, v9  }
0x41: {  	[tilespmem:s17+$0x1B00] =	vst v12;
	v3 =	vld.idx.msk [tilespmem:v7+s7+$0x0], $0xffff;
	v7 =	vadd.s32 $0xC8, v1  }
0x42: {  	s31 =	smul.u32 $0x320, s30;
	v10 =	vld.idx.msk [tilespmem:v10+s7+$0x0], $0xffff  }
0x43: {  	v21 =	vadd.s32 $0xC8, v13;
	[tilespmem:s14+$0x1C80] =	vst v11;
	v16 =	vld.idx.msk [tilespmem:v16+s7+$0x0], $0xffff  }
0x44: {  	v27 =	vadd.s32 $0x190, v8;
	v24 =	vadd.s32 s31, v9;
	[tilespmem:s13+$0x1D80] =	vst v14;
	v18 =	vld.idx.msk [tilespmem:v15+s7+$0x0], $0xffff  }
0x45: {  	v29 =	vadd.s32 $0x12C, v1;
	v19 =	vadd.s32 $0x64, v24;
	v17 =	vadd.s32 $0x1F4, v0;
	[tilespmem:s16+$0x1B80] =	vst v5;
	v25 =	vld.idx.msk [tilespmem:v2+s7+$0x0], $0xffff  }
0x46: {  	v11 =	vadd.s32 $0x258, v4;
	v12 =	vadd.s32 $0x190, v13;
	v9 =	vadd.s32 $0x1F4, v8;
	v26 =	vld.idx.msk [tilespmem:v7+s7+$0x0], $0xffff;
	[tilespmem:s19+$0x1E00] =	vst v3  }
0x47: {  	v14 =	vadd.s32 $0x190, v24;
	v15 =	vadd.s32 $0x12C, v13;
	v5 =	vadd.s32 $0x2BC, v4;
	[tilespmem:s17+$0x1B80] =	vst v10;
	v28 =	vld.idx.msk [tilespmem:v6+s7+$0x0], $0xffff  }
0x48: {  	v4 =	vadd.s32 $0x2BC, v13;
	v10 =	vadd.s32 $0x1F4, v13;
	v3 =	vadd.s32 $0x2BC, v8;
	[tilespmem:s15+$0x1C80] =	vst v16;
	v23 =	vld.idx.msk [tilespmem:v21+s7+$0x0], $0xffff  }
0x49: {  	v7 =	vadd.s32 $0x258, v13;
	v16 =	vadd.s32 $0xC8, v24;
	v13 =	vadd.s32 $0x1F4, v24;
	v21 =	vld.idx.msk [tilespmem:v27+s7+$0x0], $0xffff;
	[tilespmem:s14+$0x1D00] =	vst v18  }
0x4a: {  	s20 =	simm.s32 $0x60;
	v6 =	vadd.s32 $0x258, v8;
	v8 =	vadd.s32 $0x2BC, v24;
	v27 =	vadd.s32 $0x64, v2;
	v22 =	vld.idx.msk [tilespmem:v17+s7+$0x0], $0xffff  }
0x4b: {  	s22 =	sshll.u32 s30, $0xC;
	s25 =	sshll.u32 s23, $0xC;
	v20 =	vld.idx.msk [tilespmem:v24+s7+$0x0], $0xffff;
	s24 =	sand.u32 $0xC00, s20;
	v18 =	vadd.s32 $0x258, v24;
	v17 =	vadd.s32 $0x12C, v24;
	v24 =	vadd.s32 $0x258, v0;
	[tilespmem:s16+$0x1C00] =	vst v26  }
0x4c: {  	s21 =	simm.s32 $0x10;
	s23 =	sand.u32 $0x70, s28;
	s25 =	sor.u32 s24, s25;
	v26 =	vld.idx.msk [tilespmem:v29+s7+$0x0], $0xffff;
	[tilespmem:s19+$0x1E80] =	vst v28  }
.LBB2_2:
0x4d: {  	s19 =	sand.u32 $0x1F0, s21;
	s22 =	sor.u32 s24, s22;
	s24 =	sor.u32 s23, s25;
	v28 =	vld.idx.msk [tilespmem:v11+s7+$0x0], $0xffff;
	v11 =	vmov v6;
	v6 =	vmov v7;
	v7 =	vmov v18  }
0x4e: {  	v18 =	vld [tilespmem:s19+$0x0];
	s23 =	sor.u32 s23, s22;
	[tilespmem:s24+$0x1B00] =	vst v25;
	v25 =	vadd.s32 $0x190, v1;
	s19 =	smov.u32 s14;
	s14 =	smov.u32 s16  }
0x4f: {  	s18 =	sadd.s32 $0x2, s18;
	s16 =	smov.u32 s24;
	v27 =	vld.idx.msk [tilespmem:v27+s7+$0x0], $0xffff;
	[tilespmem:s19+$0x1D80] =	vst v22  }
0x50: {  	s24 =	sand.u32 $0x6, s18;
	p0 =	slt.u32 s18, $0xFE;
	[tilespmem:s23+$0x1B00] =	vst v20;
	v20 =	vld.idx.msk [tilespmem:v24+s7+$0x0], $0xffff  }
0x51: {  	s25 =	smul.u32 $0x320, s24;
	s22 =	sshll.u32 s24, $0xC;
	s26 =	sor.u32 $0x1, s24;
	v24 =	vadd.s32 $0xC8, v2;
	v22 =	vld.idx.msk [tilespmem:v19+s7+$0x0], $0xffff;
	[tilespmem:s17+$0x1C00] =	vst v23  }
0x52: {  	s24 =	smul.u32 $0x320, s26;
	v23 =	vld.idx.msk [tilespmem:v15+s7+$0x0], $0xffff;
	[tilespmem:s14+$0x1C80] =	vst v26;
	v26 =	vadd.s32 $0x2BC, v0;
	v0 =	vmovc v1;
	v1 =	vmov v2;
	v15 =	vmov v17  }
0x53: {  	v29 =	vadd.s32 s25, v18;
	v30 =	vld.idx.msk [tilespmem:v25+s7+$0x0], $0xffff;
	[tilespmem:s15+$0x1D00] =	vst v21  }
0x54: {  	v2 =	vadd.s32 s24, v18;
	v19 =	vadd.s32 $0x64, v29;
	v21 =	vadd.s32 $0xC8, v29;
	v31 =	vld.idx.msk [tilespmem:v9+s7+$0x0], $0xffff;
	[tilespmem:s13+$0x1E00] =	vst v28;
	v9 =	vmovc v10;
	v10 =	vmovc v13  }
0x55: {  	v17 =	vadd.s32 $0x12C, v29;
	v28 =	vadd.s32 $0x190, v29;
	[tilespmem:s16+$0x1B80] =	vst v27;
	v27 =	vadd.s32 $0x1F4, v0;
	v32 =	vld.idx.msk [tilespmem:v5+s7+$0x0], $0xffff;
	v5 =	vmovc v3;
	v3 =	vmovc v4  }
0x56: {  	v13 =	vadd.s32 $0x1F4, v29;
	v18 =	vadd.s32 $0x258, v29;
	v4 =	vmovc v8;
	v8 =	vadd.s32 $0x2BC, v29;
	v24 =	vld.idx.msk [tilespmem:v24+s7+$0x0], $0xffff;
	[tilespmem:s19+$0x1E00] =	vst v20  }
0x57: {  	[tilespmem:s23+$0x1B80] =	vst v22;
	v33 =	vld.idx.msk [tilespmem:v26+s7+$0x0], $0xffff  }
0x58: {  	v26 =	vadd.s32 $0x12C, v1;
	v20 =	vld.idx.msk [tilespmem:v29+s7+$0x0], $0xffff;
	[tilespmem:s17+$0x1C80] =	vst v23  }
.Ltmp0:
0x59: {  	v25 =	vld.idx.msk [tilespmem:v2+s7+$0x0], $0xffff;
	[tilespmem:s14+$0x1D00] =	vst v30;
	(pc) =	sbr.rel @p0 .LBB2_2-.Ltmp0, $4  }
0x5a: {  	v22 =	vld.idx.msk [tilespmem:v27+s7+$0x0], $0xffff;
	[tilespmem:s15+$0x1D80] =	vst v31  }
0x5b: {  	s20 =	sadd.s32 $0x20, s20;
	v27 =	vadd.s32 $0x64, v2;
	v23 =	vld.idx.msk [tilespmem:v16+s7+$0x0], $0xffff;
	[tilespmem:s13+$0x1E80] =	vst v32;
	v16 =	vmov v21;
	s13 =	smov.u32 s15;
	s15 =	smov.u32 s17  }
0x5c: {  	s24 =	sand.u32 $0xC00, s20;
	s25 =	sshll.u32 s26, $0xC;
	s17 =	smov.u32 s23;
	[tilespmem:s16+$0x1C00] =	vst v24;
	v21 =	vld.idx.msk [tilespmem:v12+s7+$0x0], $0xffff;
	v24 =	vadd.s32 $0x258, v0;
	v12 =	vmov v14;
	v14 =	vmov v28  }
0x5d: {  	s25 =	sor.u32 s24, s25;
	s23 =	sand.u32 $0x70, s21;
	s21 =	sadd.s32 $0x4, s21;
	v26 =	vld.idx.msk [tilespmem:v26+s7+$0x0], $0xffff;
	[tilespmem:s19+$0x1E80] =	vst v33  }
0x5e: {  	_ =	sdelay $0x1  }
0x5f: {  	s19 =	sor.u32 s24, s22;
	s18 =	sor.u32 s23, s25  }
0x60: {  	s19 =	sor.u32 s23, s19;
	[tilespmem:s18+$0x1B00] =	vst v25  }
0x61: {  	v25 =	vld.idx.msk [tilespmem:v27+s7+$0x0], $0xffff;
	[tilespmem:s19+$0x1B00] =	vst v20  }
0x62: {  	v46 =	vadd.s32 $0xC8, v2;
	v19 =	vld.idx.msk [tilespmem:v19+s7+$0x0], $0xffff;
	_ =	sdelay $0x3  }
0x63: {  	[tilespmem:s18+$0x1B80] =	vst v25  }
0x64: {  	v20 =	vld.idx.msk [tilespmem:v46+s7+$0x0], $0xffff;
	[tilespmem:s19+$0x1B80] =	vst v19  }
0x65: {  	v47 =	vadd.s32 $0x12C, v2;
	v16 =	vld.idx.msk [tilespmem:v16+s7+$0x0], $0xffff;
	_ =	sdelay $0x2  }
0x66: {  	[tilespmem:s17+$0x1C00] =	vst v23  }
0x67: {  	v48 =	vadd.s32 $0x190, v1;
	v15 =	vld.idx.msk [tilespmem:v15+s7+$0x0], $0xffff;
	[tilespmem:s18+$0x1C00] =	vst v20  }
0x68: {  	v19 =	vld.idx.msk [tilespmem:v47+s7+$0x0], $0xffff;
	[tilespmem:s19+$0x1C00] =	vst v16  }
0x69: {  	v49 =	vadd.s32 $0x190, v2;
	v17 =	vld.idx.msk [tilespmem:v17+s7+$0x0], $0xffff  }
0x6a: {  	[tilespmem:s14+$0x1D80] =	vst v22  }
0x6b: {  	v11 =	vld.idx.msk [tilespmem:v11+s7+$0x0], $0xffff;
	[tilespmem:s16+$0x1C80] =	vst v26  }
0x6c: {  	v50 =	vld.idx.msk [tilespmem:v48+s7+$0x0], $0xffff;
	[tilespmem:s17+$0x1C80] =	vst v15  }
0x6d: {  	v51 =	vadd.s32 $0x1F4, v1;
	v12 =	vld.idx.msk [tilespmem:v12+s7+$0x0], $0xffff;
	[tilespmem:s18+$0x1C80] =	vst v19  }
0x6e: {  	v16 =	vld.idx.msk [tilespmem:v49+s7+$0x0], $0xffff;
	[tilespmem:s19+$0x1C80] =	vst v17  }
0x6f: {  	v52 =	vadd.s32 $0x1F4, v2;
	[tilespmem:s15+$0x1D00] =	vst v21;
	v14 =	vld.idx.msk [tilespmem:v14+s7+$0x0], $0xffff  }
0x70: {  	v53 =	vld.idx.msk [tilespmem:v24+s7+$0x0], $0xffff;
	[tilespmem:s13+$0x1E00] =	vst v11  }
0x71: {  	v9 =	vld.idx.msk [tilespmem:v9+s7+$0x0], $0xffff;
	[tilespmem:s16+$0x1D00] =	vst v50  }
0x72: {  	v54 =	vld.idx.msk [tilespmem:v51+s7+$0x0], $0xffff;
	[tilespmem:s17+$0x1D00] =	vst v12  }
0x73: {  	v55 =	vadd.s32 $0x258, v1;
	v10 =	vld.idx.msk [tilespmem:v10+s7+$0x0], $0xffff;
	[tilespmem:s18+$0x1D00] =	vst v16  }
0x74: {  	v56 =	vld.idx.msk [tilespmem:v52+s7+$0x0], $0xffff;
	[tilespmem:s19+$0x1D00] =	vst v14  }
0x75: {  	v57 =	vadd.s32 $0x258, v2;
	[tilespmem:s14+$0x1E00] =	vst v53;
	v13 =	vld.idx.msk [tilespmem:v13+s7+$0x0], $0xffff  }
0x76: {  	v5 =	vld.idx.msk [tilespmem:v5+s7+$0x0], $0xffff;
	[tilespmem:s15+$0x1D80] =	vst v9  }
0x77: {  	v0 =	vadd.s32 $0x2BC, v0;
	v6 =	vld.idx.msk [tilespmem:v6+s7+$0x0], $0xffff;
	[tilespmem:s16+$0x1D80] =	vst v54  }
0x78: {  	v58 =	vld.idx.msk [tilespmem:v55+s7+$0x0], $0xffff;
	[tilespmem:s17+$0x1D80] =	vst v10  }
0x79: {  	v59 =	vadd.s32 $0x2BC, v1;
	v7 =	vld.idx.msk [tilespmem:v7+s7+$0x0], $0xffff;
	[tilespmem:s18+$0x1D80] =	vst v56  }
0x7a: {  	v60 =	vld.idx.msk [tilespmem:v57+s7+$0x0], $0xffff;
	[tilespmem:s19+$0x1D80] =	vst v13  }
0x7b: {  	v61 =	vadd.s32 $0x2BC, v2;
	[tilespmem:s13+$0x1E80] =	vst v5;
	v62 =	vld.idx.msk [tilespmem:v18+s7+$0x0], $0xffff  }
0x7c: {  	v0 =	vld.idx.msk [tilespmem:v0+s7+$0x0], $0xffff;
	[tilespmem:s15+$0x1E00] =	vst v6  }
0x7d: {  	v3 =	vld.idx.msk [tilespmem:v3+s7+$0x0], $0xffff;
	[tilespmem:s16+$0x1E00] =	vst v58  }
0x7e: {  	v1 =	vld.idx.msk [tilespmem:v59+s7+$0x0], $0xffff;
	[tilespmem:s17+$0x1E00] =	vst v7  }
0x7f: {  	v4 =	vld.idx.msk [tilespmem:v4+s7+$0x0], $0xffff;
	[tilespmem:s18+$0x1E00] =	vst v60  }
0x80: {  	v2 =	vld.idx.msk [tilespmem:v61+s7+$0x0], $0xffff;
	[tilespmem:s19+$0x1E00] =	vst v62  }
0x81: {  	[tilespmem:s14+$0x1E80] =	vst v0;
	v63 =	vld.idx.msk [tilespmem:v8+s7+$0x0], $0xffff  }
0x82: {  	[tilespmem:s15+$0x1E80] =	vst v3  }
0x83: {  	[tilespmem:s16+$0x1E80] =	vst v1  }
0x84: {  	s12 =	sadd.s32 $0x1, s12;
	[tilespmem:s17+$0x1E80] =	vst v4  }
0x85: {  	p0 =	sne.s32 s12, s6;
	[tilespmem:s18+$0x1E80] =	vst v2  }
.Ltmp1:
0x86: {  	[tilespmem:s19+$0x1E80] =	vst v63;
	(pc) =	sbr.rel @p0 .LBB2_1-.Ltmp1, $4  }
0x87: {  	[hbm4b:s5+s9] =	stream.strided.scatter [tilespmem:s11], [sflag:$0x1], $0x8000, s10, s9, $0x38;
	[tilespmem:$0x9B00] =	vst v63  }
0x88: {  	_ =	swait.ge [sflag:s8], $0x8000  }
0x89: {  	[sflag:s8] =	ssyncset.done $0x0  }
0x8a: {  	[sflag:s8] =	ssyncadd.s32 $0xFFFF8000  }
0x8b: {  	_ =	sfence.sel $0x180000  }
0x8c: {  	[bflag:$0x0] =	sbarrier.arrive $0xFFFF  }
0x8d: {  	p0 =	sne.s32 s1, $0x0;
	_ =	strace $0x90000047  }
0x8e: {  	s0 =	sadd.s32 @!p0 $0x100000, s0;
	[bflag:$0x2] =	sbarrier.arrive $0xFFFF  }
0x8f: {  	[sflag:s0] =	ssyncadd.tile.s32 @!p0 $0x1;
	_ =	shalt  }
.Lfunc_end2:
_tile_overlayer_lowered:
.L_overlay_start_2:
0x90: {  	(tag) =	ssettag $0x2  }
0x91: {  	s0 =	rddreg [dreg:$0x0];
	s2 =	stileid.u32  }
0x92: {  	s1 =	rddreg [dreg:$0x1];
	p0 =	sne.s32 s2, $0x0  }
0x93: {  	s3 =	rddreg [dreg:$0x2];
	[bflag:$0x3] =	sbarrier.arrive $0xFFFF;
	s2 =	simm.s32 @!p0 $0x1C02  }
0x94: {  	[timem:s3], [sflag:s2] =	dma.local @!p0 [hbm:s0], s1  }
0x95: {  	s0 =	simm.s32 @!p0 $0x2  }
0x96: {  	_ =	swait.ge @!p0 [sflag:s0], s1  }
0x97: {  	s1 =	ssub.s32 @!p0 $0x0, s1;
	[sflag:s0] =	ssyncset.done @!p0 $0x0  }
0x98: {  	[sflag:s0] =	ssyncadd.s32 @!p0 s1  }
0x99: {  	[bflag:$0x3] =	sbarrier.arrive $0xFFFF  }
0x9a: {  	_ =	shalt  }

</sc_bundles>
